<compile_context>
chip_gen: v7x
topology: tpu7x:2x2x1
jax: 0.10.2.dev20260603
libtpu: 0.0.44.dev20260713+nightly
codegen_flags: <defaults>
</compile_context>

<pallas_src>
import functools

import jax
import jax.numpy as jnp
from jax import lax
from jax.experimental import pallas as pl
from jax.experimental.pallas import tpu as pltpu
from jax.experimental.pallas import tpu_sc as plsc

_N_NODES = 10000
_N_EDGES = 320000
_D = 128

_NC = 2
_NS = 16
_NW = _NC * _NS
_L = 16
_CH = 128
_NCH = _N_EDGES // _CH
_CPW = -(-_NCH // _NW)


def _pq_body(z_ref, w_ref, b_ref, p_ref, q_ref):
    w2 = jnp.concatenate([w_ref[0:1, :_D], w_ref[0:1, _D:]], axis=0)
    pq = lax.dot_general(
        w2, z_ref[...], (((1,), (1,)), ((), ())),
        preferred_element_type=jnp.float32,
    )
    p_ref[...] = -(pq[0] + b_ref[0])
    q_ref[...] = -pq[1]


_mesh = plsc.VectorSubcoreMesh(core_axis_name="c", subcore_axis_name="s")


@functools.partial(
    pl.kernel,
    out_type=jax.ShapeDtypeStruct((_N_EDGES,), jnp.float32),
    mesh=_mesh,
    compiler_params=pltpu.CompilerParams(
        needs_layout_passes=False,
        use_tc_tiling_on_sc=True,
    ),
    scratch_types=[
        pltpu.VMEM((_N_NODES,), jnp.float32),
        pltpu.VMEM((_N_NODES,), jnp.float32),
        pltpu.VMEM((2, _CPW * _CH), jnp.int32),
        pltpu.VMEM((_CPW * _CH,), jnp.float32),
        pltpu.SemaphoreType.DMA,
    ],
)
def _edge_sigmoid(p_hbm, q_hbm, ei_hbm, out_hbm,
                  p_v, q_v, ei_v, o_v, sem):
    wid = lax.axis_index("s") * _NC + lax.axis_index("c")
    cb = jnp.minimum((_NCH // _NW) * wid + jnp.minimum(wid, _NCH % _NW),
                     _NCH - _CPW)
    c1 = pltpu.async_copy(p_hbm, p_v, sem)
    c2 = pltpu.async_copy(q_hbm, q_v, sem)
    c3 = pltpu.async_copy(ei_hbm.at[:, pl.ds(cb * _CH, _CPW * _CH)],
                          ei_v, sem)
    c1.wait()
    c2.wait()
    c3.wait()

    @plsc.parallel_loop(0, _CPW * _CH, step=_L, unroll=4)
    def _loop(off):
        sv = ei_v[0, pl.ds(off, _L)]
        dv = ei_v[1, pl.ds(off, _L)]
        pv = plsc.load_gather(p_v, [sv])
        qv = plsc.load_gather(q_v, [dv])
        o_v[pl.ds(off, _L)] = 1.0 / (1.0 + jnp.exp(pv + qv))

    pltpu.sync_copy(o_v, out_hbm.at[pl.ds(cb * _CH, _CPW * _CH)])


def kernel(z, edge_index, W, b):
    ei = edge_index.astype(jnp.int32)
    p, q = pl.pallas_call(
        _pq_body,
        out_shape=[
            jax.ShapeDtypeStruct((_N_NODES,), jnp.float32),
            jax.ShapeDtypeStruct((_N_NODES,), jnp.float32),
        ],
        in_specs=[
            pl.BlockSpec(memory_space=pltpu.VMEM),
            pl.BlockSpec(memory_space=pltpu.VMEM),
            pl.BlockSpec(memory_space=pltpu.SMEM),
        ],
    )(z, W, b)
    return _edge_sigmoid(p, q, ei)

# --- scband reference (transcript-rebuilt; emitter-appended) ---
"""Pipeline reference for scband-edge-predictor-66632122630629 (READ-ONLY COPY).

The authoritative reference and input builder live on the scoring server;
editing this copy changes nothing except your own understanding.
"""

import jax, jax.numpy as jnp
import numpy as np

N_NODES = 10000
N_EDGES = 320000
D = 128

def setup_inputs(seed: int = 0) -> dict:
    key = jax.random.key(seed)
    k1, k2, k3, k4 = jax.random.split(key, 4)
    z = jax.random.normal(k1, (N_NODES, D), dtype=jnp.float32)
    edge_index = jax.random.randint(k2, (2, N_EDGES), 0, N_NODES, dtype=jnp.int64 if jax.config.jax_enable_x64 else jnp.int32)
    # nn.Linear(2*D, 1): weight [1, 2*D], bias [1]
    bound = 1.0 / np.sqrt(2 * D)
    W = jax.random.uniform(k3, (1, 2 * D), dtype=jnp.float32, minval=-bound, maxval=bound)
    b = jax.random.uniform(k4, (1,), dtype=jnp.float32, minval=-bound, maxval=bound)
    return {"z": z, "edge_index": edge_index, "W": W, "b": b}

def reference(z, edge_index, W, b):
    src = jnp.take(z, edge_index[0], axis=0)   # gather [E, D]
    dst = jnp.take(z, edge_index[1], axis=0)   # gather [E, D]
    out = jnp.concatenate([src, dst], axis=1)  # [E, 2D]
    logits = out @ W.T + b                     # [E, 1]
    return jnp.squeeze(jax.nn.sigmoid(logits))

if __name__ == "__main__":
    import jax
    _d = setup_inputs()
    print(jax.jit(kernel)(*tuple(_d.values())))

</pallas_src>

<mosaic_0001>
#map = affine_map<(d0, d1) -> (0)>
#map1 = affine_map<(d0, d1) -> (0, 0)>
module attributes {stable_mosaic.version = 14 : i64} {
  func.func @_edge_sigmoid(%arg0: i32, %arg1: i32, %arg2: memref<10000xf32, #tpu.memory_space<hbm>>, %arg3: memref<10000xf32, #tpu.memory_space<hbm>>, %arg4: memref<2x320000xi32, #tpu.memory_space<hbm>>, %arg5: memref<320000xf32, #tpu.memory_space<hbm>>, %arg6: memref<10000xf32, #tpu.memory_space<vmem>>, %arg7: memref<10000xf32, #tpu.memory_space<vmem>>, %arg8: memref<2x10112xi32, #tpu.memory_space<vmem>>, %arg9: memref<10112xf32, #tpu.memory_space<vmem>>, %arg10: memref<!tpu.dma_semaphore, #tpu.memory_space<semaphore_mem>>) attributes {dimension_semantics = [#tpu.dimension_semantics<core_parallel>, #tpu.dimension_semantics<subcore_parallel>], iteration_bounds = array<i64: 2, 16>, scalar_prefetch = 0 : i64, scratch_operands = 5 : i64, tpu.core_type = #tpu.core_type<sc_vector_subcore>, window_params = [{transform_indices = #map}, {transform_indices = #map}, {transform_indices = #map1}, {transform_indices = #map}]} {
    %mul3A = arith.constant 2 : i32
    %mul3A_0 = arith.muli %arg1, %mul3A : i32
    %add3A = arith.addi %mul3A_0, %arg0 : i32
    %mul3A_1 = arith.constant 78 : i32
    %mul3A_2 = arith.muli %mul3A_1, %add3A : i32
    %min3A = arith.constant 4 : i32
    %min3A_3 = arith.minsi %add3A, %min3A : i32
    %add3A_4 = arith.addi %mul3A_2, %min3A_3 : i32
    %min3A_5 = arith.constant 2421 : i32
    %min3A_6 = arith.minsi %add3A_4, %min3A_5 : i32
    tpu.enqueue_dma source(%arg2 : memref<10000xf32, #tpu.memory_space<hbm>>) target(%arg6 : memref<10000xf32, #tpu.memory_space<vmem>>) target_semaphore(%arg10 : memref<!tpu.dma_semaphore, #tpu.memory_space<semaphore_mem>>)
    tpu.enqueue_dma source(%arg3 : memref<10000xf32, #tpu.memory_space<hbm>>) target(%arg7 : memref<10000xf32, #tpu.memory_space<vmem>>) target_semaphore(%arg10 : memref<!tpu.dma_semaphore, #tpu.memory_space<semaphore_mem>>)
    %mul3A_7 = arith.constant 128 : i32
    %mul3A_8 = arith.muli %min3A_6, %mul3A_7 : i32
    %dma_start3A = arith.constant 0 : i32
    %dma_start3A_9 = tpu.memref_slice %arg4[%dma_start3A, %mul3A_8] : memref<2x320000xi32, #tpu.memory_space<hbm>> -> memref<2x10112xi32, #tpu.memory_space<hbm>>
    %dma_start3A_10 = arith.constant 0 : i32
    %dma_start3A_11 = tpu.memref_slice %arg4[%dma_start3A_10, %mul3A_8] : memref<2x320000xi32, #tpu.memory_space<hbm>> -> memref<2x10112xi32, #tpu.memory_space<hbm>>
    tpu.enqueue_dma source(%dma_start3A_11 : memref<2x10112xi32, #tpu.memory_space<hbm>>) target(%arg8 : memref<2x10112xi32, #tpu.memory_space<vmem>>) target_semaphore(%arg10 : memref<!tpu.dma_semaphore, #tpu.memory_space<semaphore_mem>>)
    tpu.wait_dma2 semaphore(%arg10 : memref<!tpu.dma_semaphore, #tpu.memory_space<semaphore_mem>>) src(%arg2 : memref<10000xf32, #tpu.memory_space<hbm>>) dst(%arg6 : memref<10000xf32, #tpu.memory_space<vmem>>)
    tpu.wait_dma2 semaphore(%arg10 : memref<!tpu.dma_semaphore, #tpu.memory_space<semaphore_mem>>) src(%arg3 : memref<10000xf32, #tpu.memory_space<hbm>>) dst(%arg7 : memref<10000xf32, #tpu.memory_space<vmem>>)
    %dma_wait3A = arith.constant 0 : i32
    %dma_wait3A_12 = tpu.memref_slice %arg4[%dma_wait3A, %mul3A_8] : memref<2x320000xi32, #tpu.memory_space<hbm>> -> memref<2x10112xi32, #tpu.memory_space<hbm>>
    %dma_wait3A_13 = arith.constant 0 : i32
    %dma_wait3A_14 = tpu.memref_slice %arg4[%dma_wait3A_13, %mul3A_8] : memref<2x320000xi32, #tpu.memory_space<hbm>> -> memref<2x10112xi32, #tpu.memory_space<hbm>>
    tpu.wait_dma2 semaphore(%arg10 : memref<!tpu.dma_semaphore, #tpu.memory_space<semaphore_mem>>) src(%dma_wait3A_14 : memref<2x10112xi32, #tpu.memory_space<hbm>>) dst(%arg8 : memref<2x10112xi32, #tpu.memory_space<vmem>>)
    %parallel_loop3A = arith.constant 0 : i32
    %parallel_loop3A_15 = arith.constant 10112 : i32
    %parallel_loop3A_16 = arith.constant 16 : i32
    scf.for %parallel_loop3A_19 = %parallel_loop3A to %parallel_loop3A_15 step %parallel_loop3A_16  : i32 {
      %parallel_loop3A_20 = arith.constant 0 : i32
      %parallel_loop3A_21 = arith.index_cast %parallel_loop3A_20 : i32 to index
      %parallel_loop3A_22 = arith.index_cast %parallel_loop3A_19 : i32 to index
      %parallel_loop3A_23 = tpu.vector_load %arg8[%parallel_loop3A_21, %parallel_loop3A_22] {strides = array<i32>} : memref<2x10112xi32, #tpu.memory_space<vmem>>, vector<16xi32>,
      %parallel_loop3A_24 = arith.constant 1 : i32
      %parallel_loop3A_25 = arith.index_cast %parallel_loop3A_24 : i32 to index
      %parallel_loop3A_26 = arith.index_cast %parallel_loop3A_19 : i32 to index
      %parallel_loop3A_27 = tpu.vector_load %arg8[%parallel_loop3A_25, %parallel_loop3A_26] {strides = array<i32>} : memref<2x10112xi32, #tpu.memory_space<vmem>>, vector<16xi32>,
      %parallel_loop3A_28 = tpu.vector_load_idx %arg6[%parallel_loop3A_23] : memref<10000xf32, #tpu.memory_space<vmem>>[vector<16xi32>], vector<16xf32>,
      %parallel_loop3A_29 = tpu.vector_load_idx %arg7[%parallel_loop3A_27] : memref<10000xf32, #tpu.memory_space<vmem>>[vector<16xi32>], vector<16xf32>,
      %parallel_loop3A_30 = arith.addf %parallel_loop3A_28, %parallel_loop3A_29 : vector<16xf32>
      %parallel_loop3A_31 = math.exp %parallel_loop3A_30 : vector<16xf32>
      %parallel_loop3A_32 = arith.constant 1.000000e+00 : f32
      %parallel_loop3A_33 = vector.broadcast %parallel_loop3A_32 : f32 to vector<16xf32>
      %parallel_loop3A_34 = arith.addf %parallel_loop3A_33, %parallel_loop3A_31 : vector<16xf32>
      %parallel_loop3A_35 = arith.constant 1.000000e+00 : f32
      %parallel_loop3A_36 = vector.broadcast %parallel_loop3A_35 : f32 to vector<16xf32>
      %parallel_loop3A_37 = arith.divf %parallel_loop3A_36, %parallel_loop3A_34 : vector<16xf32>
      %parallel_loop3A_38 = arith.index_cast %parallel_loop3A_19 : i32 to index
      %parallel_loop3A_39 = tpu.vector_load %arg9[%parallel_loop3A_38] {strides = array<i32>} : memref<10112xf32, #tpu.memory_space<vmem>>, vector<16xf32>,
      tpu.vector_store %arg9[%parallel_loop3A_38], %parallel_loop3A_37 {strides = array<i32>} : memref<10112xf32, #tpu.memory_space<vmem>>, vector<16xf32>,
    } {sc.loop_unroll_factor = 4 : i64, sc.parallel_access}
    %mul3A_17 = arith.constant 128 : i32
    %mul3A_18 = arith.muli %min3A_6, %mul3A_17 : i32
    "tpu.region"() ({
      %run_scoped3A = tpu.sem_alloc : memref<!tpu.dma_semaphore, #tpu.memory_space<semaphore_mem>>
      %dma_start3A_19 = tpu.memref_slice %arg5[%mul3A_18] : memref<320000xf32, #tpu.memory_space<hbm>> -> memref<10112xf32, #tpu.memory_space<hbm>>
      %dma_start3A_20 = tpu.memref_slice %arg5[%mul3A_18] : memref<320000xf32, #tpu.memory_space<hbm>> -> memref<10112xf32, #tpu.memory_space<hbm>>
      tpu.enqueue_dma source(%arg9 : memref<10112xf32, #tpu.memory_space<vmem>>) target(%dma_start3A_20 : memref<10112xf32, #tpu.memory_space<hbm>>) target_semaphore(%run_scoped3A : memref<!tpu.dma_semaphore, #tpu.memory_space<semaphore_mem>>)
      %dma_wait3A_21 = tpu.memref_slice %arg5[%mul3A_18] : memref<320000xf32, #tpu.memory_space<hbm>> -> memref<10112xf32, #tpu.memory_space<hbm>>
      %dma_wait3A_22 = tpu.memref_slice %arg5[%mul3A_18] : memref<320000xf32, #tpu.memory_space<hbm>> -> memref<10112xf32, #tpu.memory_space<hbm>>
      tpu.wait_dma2 semaphore(%run_scoped3A : memref<!tpu.dma_semaphore, #tpu.memory_space<semaphore_mem>>) src(%arg9 : memref<10112xf32, #tpu.memory_space<vmem>>) dst(%dma_wait3A_22 : memref<10112xf32, #tpu.memory_space<hbm>>)
      tpu.yield
    }) : () -> ()
    return
  }
}

module attributes {stable_mosaic.version = 14 : i64} {
  func.func @_pq_body(%arg0: memref<10000x128xf32, #tpu.memory_space<vmem>>, %arg1: memref<1x256xf32, #tpu.memory_space<vmem>>, %arg2: memref<1xf32, #tpu.memory_space<smem>>, %arg3: memref<10000xf32, #tpu.memory_space<vmem>>, %arg4: memref<10000xf32, #tpu.memory_space<vmem>>) attributes {dimension_semantics = [], scalar_prefetch = 0 : i64, scratch_operands = 0 : i64, tpu.core_type = #tpu.core_type<tc>} {
    %get3A = arith.constant 0 : index
    %get3A_0 = arith.constant 0 : index
    %get3A_1 = vector.load %arg1[%get3A, %get3A_0] : memref<1x256xf32, #tpu.memory_space<vmem>>, vector<1x128xf32>
    %get3A_2 = arith.constant 0 : index
    %get3A_3 = arith.constant 128 : index
    %get3A_4 = vector.load %arg1[%get3A_2, %get3A_3] : memref<1x256xf32, #tpu.memory_space<vmem>>, vector<1x128xf32>
    %concatenate3A = tpu.concatenate %get3A_1, %get3A_4 in 0 : vector<1x128xf32>, vector<1x128xf32> -> vector<2x128xf32>
    %get3A_5 = arith.constant 0 : index
    %get3A_6 = arith.constant 0 : index
    %get3A_7 = vector.load %arg0[%get3A_5, %get3A_6] : memref<10000x128xf32, #tpu.memory_space<vmem>>, vector<10000x128xf32>
    %dot_general3A = arith.constant dense<0.000000e+00> : vector<2x10000xf32>
    %dot_general3A_8 = tpu.matmul %concatenate3A, %get3A_7, %dot_general3A {dimension_numbers = #tpu.dot_dimension_numbers<[1], [1], [0], [0], [0, 0, 1, 0], [], []>, transpose_lhs_hint = false} : vector<2x128xf32>, vector<10000x128xf32>, vector<2x10000xf32> -> vector<2x10000xf32>
    %slice3A = vector.extract_strided_slice %dot_general3A_8 {offsets = [0, 0], sizes = [1, 10000], strides = [1, 1]} : vector<2x10000xf32> to vector<1x10000xf32>
    %squeeze3A = vector.shape_cast %slice3A : vector<1x10000xf32> to vector<10000xf32>
    %get3A_9 = arith.constant 0 : index
    %get3A_10 = memref.load %arg2[%get3A_9] : memref<1xf32, #tpu.memory_space<smem>>
    %add3A = vector.broadcast %get3A_10 : f32 to vector<10000xf32>
    %add3A_11 = arith.addf %squeeze3A, %add3A : vector<10000xf32>
    %neg3A = arith.constant 0.000000e+00 : f32
    %neg3A_12 = vector.broadcast %neg3A : f32 to vector<10000xf32>
    %neg3A_13 = arith.subf %neg3A_12, %add3A_11 : vector<10000xf32>
    %swap3A = arith.constant 0 : index
    %swap3A_14 = vector.load %arg3[%swap3A] : memref<10000xf32, #tpu.memory_space<vmem>>, vector<10000xf32>
    tpu.vector_store %arg3[%swap3A], %neg3A_13 {strides = array<i32>} : memref<10000xf32, #tpu.memory_space<vmem>>, vector<10000xf32>,
    %slice3A_15 = vector.extract_strided_slice %dot_general3A_8 {offsets = [1, 0], sizes = [1, 10000], strides = [1, 1]} : vector<2x10000xf32> to vector<1x10000xf32>
    %squeeze3A_16 = vector.shape_cast %slice3A_15 : vector<1x10000xf32> to vector<10000xf32>
    %neg3A_17 = arith.constant 0.000000e+00 : f32
    %neg3A_18 = vector.broadcast %neg3A_17 : f32 to vector<10000xf32>
    %neg3A_19 = arith.subf %neg3A_18, %squeeze3A_16 : vector<10000xf32>
    %swap3A_20 = arith.constant 0 : index
    %swap3A_21 = vector.load %arg4[%swap3A_20] : memref<10000xf32, #tpu.memory_space<vmem>>, vector<10000xf32>
    tpu.vector_store %arg4[%swap3A_20], %neg3A_19 {strides = array<i32>} : memref<10000xf32, #tpu.memory_space<vmem>>, vector<10000xf32>,
    return
  }
}

</mosaic_0001>

<sc_bundles>
// kernel: kernel.4.cloned.1.call-start
scs
__scs_entry_jumppad:
0x0: {  	(pc) =	sbr.rel $0x88, $3  }
0x1: {  	(tag) =	ssettag $0x0;
	lr =	simm.s32 $0x1  }
0x2: {  	[smem:$0x3F9D] =	sst lr;
	_ =	strace $0xD0000000  }
0x3: {  	_ = 	snop  }
0x4: {  	_ = 	snop  }
0x5: {  	_ = 	snop  }
0x6: {  	_ = 	snop  }
0x7: {  	_ = 	snop  }
__scs_overlays_trampoline_lowered:
0x8: {  	[smem:$0x3FAC] =	sst s0  }
0x9: {  	[smem:$0x3FAD] =	sst s1  }
0xa: {  	[smem:$0x3FAE] =	sst s2  }
0xb: {  	[smem:$0x3FAF] =	sst s3  }
0xc: {  	[smem:$0x3FB0] =	sst s4  }
0xd: {  	[smem:$0x3FB1] =	sst s5  }
0xe: {  	[smem:$0x3FB2] =	sst s6  }
0xf: {  	[smem:$0x3FB3] =	sst s7  }
0x10: {  	[smem:$0x3FB4] =	sst s8  }
0x11: {  	[smem:$0x3FB5] =	sst s9;
	s0 =	simm.s32 @!p0 $0x0  }
0x12: {  	s1 =	sld [smem:$0x3F9B];
	s0 =	simm.s32 @p0 $0x1  }
0x13: {  	[smem:$0x3FB6] =	sst s0;
	s0 =	simm.s32 @!p1 $0x0  }
0x14: {  	s2 =	sld [smem:$0x3F9A];
	s0 =	simm.s32 @p1 $0x1  }
0x15: {  	[smem:$0x3FB7] =	sst s0;
	s0 =	simm.s32 @!p2 $0x0  }
0x16: {  	s3 =	sld [smem:$0x3FDB];
	s0 =	simm.s32 @p2 $0x1  }
0x17: {  	s4 =	simm.s32 $0x1BF5;
	[smem:$0x3FB9] =	sst s0  }
0x18: {  	s0 =	sld [smem:$0x3F9C];
	_ =	swait.ge [sflag:s4], $0x0  }
0x19: {  	s7 =	sld [smem:$0x3F9D]  }
0x1a: {  	s8 =	sadd.s32 $0xFFFFE003, lr  }
0x1b: {  	s9 =	sadd.s32 $0xFFFFFEF7, lr;
	s5 =	simm.s32 $0xFFFFFFFF;
	p2 =	slt.u32 s8, $0xFFFFF086  }
0x1c: {  	p1 =	slt.u32 s9, $0xF7A;
	s5 =	simm.s32 @!p2 $0x0  }
0x1d: {  	s5 =	simm.s32 @p1 $0x1;
	p0 =	seq.s32 s7, s2  }
0x1e: {  	s7 =	smul.u32 @!p0 $0xF7A, s2;
	p2 =	seq.s32 @!p0 s5, $0x0  }
0x1f: {  	s9 =	smul.u32 $0xF7A, s1;
	s8 =	simm.s32 @!p0 $0x1BF5;
	p2 =	por !p2, p0  }
0x20: {  	[sflag:s8] =	ssyncset.s32 @!p0 $0xFFFFF086;
	s6 =	sadd.s32 @!p0 s3, s7;
	s7 =	simm.s32 @!p0 $0x108  }
0x21: {  	s3 =	sadd.s32 s3, s9;
	s6 =	sadd.s32 @!p0 $0x88, s6;
	s7 =	simm.s32 @p2 $0x1082  }
0x22: {  	[simem:s7], [sflag:s8] =	dma.local @!p0 [hbm:s6], $0xF7A  }
0x23: {  	s9 =	sor.u32 $0xD0000000, s2;
	s6 =	simm.s32 $0x108;
	_ =	swait.ge @!p0 [sflag:s8], $0x0  }
0x24: {  	s3 =	sadd.s32 $0x88, s3;
	s6 =	simm.s32 @!p1 $0x1082;
	[sflag:s4] =	ssyncset.s32 $0xFFFFF086  }
0x25: {  	[simem:s6], [sflag:s4] =	dma.local [hbm:s3], $0xF7A  }
0x26: {  	[smem:$0x3F9D] =	sst s1;
	(tag) =	ssettag s2;
	_ =	strace s9  }
0x27: {  	s1 =	sld [smem:$0x3FAD]  }
0x28: {  	s2 =	sld [smem:$0x3FAE]  }
0x29: {  	s4 =	sld [smem:$0x3FB0]  }
0x2a: {  	p0 =	seq.s32 s5, $0x0;
	s5 =	sld [smem:$0x3FB1]  }
0x2b: {  	s6 =	sld [smem:$0x3FB2]  }
0x2c: {  	s7 =	sld [smem:$0x3FB3]  }
0x2d: {  	s3 =	simm.s32 $0x108;
	s8 =	sld [smem:$0x3FB4]  }
0x2e: {  	s3 =	simm.s32 @!p0 $0x1082;
	s9 =	sld [smem:$0x3FB5]  }
0x2f: {  	lr =	sadd.s32 s0, s3;
	s0 =	sld [smem:$0x3FAC]  }
0x30: {  	s3 =	sld [smem:$0x3FAF]  }
0x31: {  	[smem:$0x3FB8] =	sst s10  }
0x32: {  	s10 =	sld [smem:$0x3FB6];
	_ =	sdelay $0x3  }
0x33: {  	p0 =	seq.s32 s10, $0x1;
	s10 =	sld [smem:$0x3FB8];
	_ =	sdelay $0x3  }
0x34: {  	[smem:$0x3FB8] =	sst s10  }
0x35: {  	s10 =	sld [smem:$0x3FB7];
	_ =	sdelay $0x3  }
0x36: {  	p1 =	seq.s32 s10, $0x1;
	s10 =	sld [smem:$0x3FB8];
	_ =	sdelay $0x3  }
0x37: {  	[smem:$0x3FB8] =	sst s10  }
0x38: {  	s10 =	sld [smem:$0x3FB9]  }
0x39: {  	_ = 	snop;
	(pc) =	sbr.ind lr, $3  }
0x3a: {  	_ = 	snop  }
0x3b: {  	_ = 	snop  }
0x3c: {  	p2 =	seq.s32 s10, $0x1;
	s10 =	sld [smem:$0x3FB8]  }
0x3d: {  	_ =	shalt  }
0x3e: {  	_ =	shalt  }
0x3f: {  	_ =	shalt  }
0x40: {  	_ =	shalt  }
0x41: {  	_ =	shalt  }
0x42: {  	_ =	shalt  }
0x43: {  	_ =	shalt  }
0x44: {  	_ =	shalt  }
0x45: {  	_ =	shalt  }
0x46: {  	_ =	shalt  }
0x47: {  	_ =	shalt  }
0x48: {  	_ =	shalt  }
0x49: {  	_ =	shalt  }
0x4a: {  	_ =	shalt  }
0x4b: {  	_ =	shalt  }
0x4c: {  	_ =	shalt  }
0x4d: {  	_ =	shalt  }
0x4e: {  	_ =	shalt  }
0x4f: {  	_ =	shalt  }
0x50: {  	_ =	shalt  }
0x51: {  	_ =	shalt  }
0x52: {  	_ =	shalt  }
0x53: {  	_ =	shalt  }
0x54: {  	_ =	shalt  }
0x55: {  	_ =	shalt  }
0x56: {  	_ =	shalt  }
0x57: {  	_ =	shalt  }
0x58: {  	_ =	shalt  }
0x59: {  	_ =	shalt  }
0x5a: {  	_ =	shalt  }
0x5b: {  	_ =	shalt  }
0x5c: {  	_ =	shalt  }
0x5d: {  	_ =	shalt  }
0x5e: {  	_ =	shalt  }
0x5f: {  	_ =	shalt  }
0x60: {  	_ =	shalt  }
0x61: {  	_ =	shalt  }
0x62: {  	_ =	shalt  }
0x63: {  	_ =	shalt  }
0x64: {  	_ =	shalt  }
0x65: {  	_ =	shalt  }
0x66: {  	_ =	shalt  }
0x67: {  	_ =	shalt  }
0x68: {  	_ =	shalt  }
0x69: {  	_ =	shalt  }
0x6a: {  	_ =	shalt  }
0x6b: {  	_ =	shalt  }
0x6c: {  	_ =	shalt  }
0x6d: {  	_ =	shalt  }
0x6e: {  	_ =	shalt  }
0x6f: {  	_ =	shalt  }
0x70: {  	_ =	shalt  }
0x71: {  	_ =	shalt  }
0x72: {  	_ =	shalt  }
0x73: {  	_ =	shalt  }
0x74: {  	_ =	shalt  }
0x75: {  	_ =	shalt  }
0x76: {  	_ =	shalt  }
0x77: {  	_ =	shalt  }
0x78: {  	_ =	shalt  }
0x79: {  	_ =	shalt  }
0x7a: {  	_ =	shalt  }
0x7b: {  	_ =	shalt  }
0x7c: {  	_ =	shalt  }
0x7d: {  	_ =	shalt  }
0x7e: {  	_ =	shalt  }
0x7f: {  	_ =	shalt  }
0x80: {  	_ =	shalt  }
0x81: {  	_ =	shalt  }
0x82: {  	_ =	shalt  }
0x83: {  	_ =	shalt  }
0x84: {  	_ =	shalt  }
0x85: {  	_ =	shalt  }
0x86: {  	_ =	shalt  }
0x87: {  	_ =	shalt  }
.Lfunc_end0:
.L_simem_size_0:
called_computation_lowered:
.L_overlay_start_0:
0x88: {  	s2 =	sld [smem:$0x3FD9]  }
0x89: {  	s3 =	sld [smem:$0x3FFE];
	_ =	sdelay $0x1  }
0x8a: {  	s1 =	srdreg.scid  }
0x8b: {  	s0 =	sand.u32 $0x1, s1  }
0x8c: {  	s17 =	sshll.u32 s0, $0xA;
	s2 =	sadd.s32 s3, s2  }
0x8d: {  	s2 =	sadd.s32 s2, s17  }
0x8e: {  	[smem:$0x3FC4] =	sst s2  }
0x8f: {  	_ = 	snop  }
0x90: {  	s2 =	sld [smem:$0x3FC8]  }
0x91: {  	s18 =	sld [smem:$0x3FD0];
	(tm) =	ssettm $0x1  }
0x92: {  	s4 =	sld [smem:$0x3FFB];
	_ =	sdelay $0x3  }
0x93: {  	_ =	strace s4  }
0x94: {  	s4 =	sld [smem:$0x3FFC];
	_ =	sdelay $0x3  }
0x95: {  	_ =	strace s4  }
0x96: {  	s4 =	sld [smem:$0x3FFD];
	_ =	sdelay $0x3  }
0x97: {  	_ =	strace s4  }
0x98: {  	_ =	strace $0x8FFFFFFF  }
0x99: {  	s19 =	sld [smem:$0x3FDB];
	_ =	sdelay $0x1  }
0x9a: {  	s5 =	simm.s32 $_scs_section_size  }
0x9b: {  	s6 =	simm.s32 $_size__tile_overlayer_lowered;
	s7 =	simm.s32 $_tile_overlayer_lowered  }
0x9c: {  	s22 =	simm.s32 $0x1BFF;
	s21 =	sshll.u32 s7, $0x1;
	s4 =	sadd.s32 s5, s19  }
0x9d: {  	s8 =	simm.s32 $0x0;
	s20 =	sshll.u32 s6, $0x1;
	s6 =	sadd.s32 s21, s4  }
0x9e: {  	[timem:s8], [sflag:s22] =	dma.local [hbm:s6], s20  }
0x9f: {  	_ =	swait.ge [sflag:s22], s20  }
0xa0: {  	s5 =	ssub.s32 $0x0, s20;
	[sflag:s22] =	ssyncset.done $0x0  }
0xa1: {  	[sflag:s22] =	ssyncadd.s32 s5;
	_ =	sdelay $0x1  }
0xa2: {  	s23 =	simm.s32 $0x1B8B  }
0xa3: {  	_ =	swait.ge [sflag:s23], $0x1  }
0xa4: {  	[sflag:s23] =	ssyncset.done $0x0  }
0xa5: {  	s25 =	simm.s32 $0x1B8E;
	s24 =	sld [smem:$0x3FFE];
	[sflag:s23] =	ssyncadd.s32 $0xFFFFFFFF  }
0xa6: {  	s26 =	simm.s32 $execute0_lowered;
	[smem:$0x3FD2] =	sst s25  }
0xa7: {  	s6 =	sshll.u32 s26, $0x1;
	_ =	strace $0x80000046;
	[dreg:$0x1] =	wrdreg $0xFFFFFFFF  }
0xa8: {  	s28 =	simm.s32 $_size_execute0_lowered;
	s4 =	sadd.s32 s4, s6;
	[dreg:$0x0] =	wrdreg $0x0  }
0xa9: {  	s6 =	sshll.u32 s28, $0x1;
	[dreg:$0x2] =	wrdreg s4  }
0xaa: {  	[dreg:$0x3] =	wrdreg s6  }
0xab: {  	[dreg:$0x4] =	wrdreg $0xC0  }
0xac: {  	_ =	task [dreg:s8], $0x5FFFF  }
0xad: {  	[dreg:$0x1] =	wrdreg $0xFFFFFFFF  }
0xae: {  	[dreg:$0x0] =	wrdreg $0x60  }
0xaf: {  	[dreg:$0x2] =	wrdreg s24  }
0xb0: {  	[dreg:$0x3] =	wrdreg s2  }
0xb1: {  	[dreg:$0x4] =	wrdreg s18  }
0xb2: {  	[dreg:$0x5] =	wrdreg $0x9  }
0xb3: {  	_ =	task.clear_ibuf [dreg:s8], $0x6FFFF;
	_ =	strace $0x90000046  }
0xb4: {  	s29 =	simm.s32 $0x9;
	_ =	strace $0x80000048  }
0xb5: {  	_ =	swait.ge [sflag:s29], $0x1  }
0xb6: {  	[sflag:s29] =	ssyncadd.s32 $0xFFFFFFFF  }
0xb7: {  	_ =	strace $0x90000048  }
0xb8: {  	_ =	sfence  }
0xb9: {  	s30 =	sld [smem:$0x0];
	_ =	sdelay $0x2  }
0xba: {  	s31 =	sshll.u32 s1, $0xD;
	s1 =	sshrl.u32 s1, $0x2  }
0xbb: {  	s3 =	sand.u32 $0x4000, s31;
	s1 =	sadd.s32 s1, s30  }
0xbc: {  	s0 =	sor.u32 s3, s0;
	s1 =	sshll.u32 s1, $0x11  }
0xbd: {  	s0 =	sor.u32 s1, s0  }
0xbe: {  	s0 =	sadd.s32 $0x8F2B, s0  }
0xbf: {  	[sflag:s0] =	ssyncadd.remote.s32 $0x1  }
0xc0: {  	_ =	sfence.sel $0xFFFF  }
0xc1: {  	[dreg:$0x0] =	wrdreg $0xFFFFFFFF;
	(pc) =	sbr.abs _section_cstart, $3  }
0xc2: {  	[dreg:$0x1] =	wrdreg $0xFFFFFFFF  }
0xc3: {  	_ =	task.clear_ibuf [dreg:s8], $0x2FFFF;
	_ =	strace $0x9FFFFFFF  }
0xc4: {  	(tm) =	ssettm $0x7FFFFFFF  }
0xc5: {  	_ =	shalt  }
tec
execute0_lowered:
.L_overlay_start_1:
0x0: {  	(tag) =	ssettag $0x1  }
0x1: {  	s4 =	rddreg [dreg:$0x0]  }
0x2: {  	s5 =	rddreg [dreg:$0x1];
	s1 =	srdreg.scid  }
0x3: {  	s0 =	stileid.u32;
	s6 =	rddreg [dreg:$0x2];
	s2 =	simm.s32 $0x0  }
0x4: {  	s10 =	simm.s32 $0x1;
	s7 =	sand.u32 $0x1, s1;
	s3 =	sshll.u32 s0, $0x1  }
0x5: {  	s11 =	simm.s32 $0x9E00;
	s12 =	simm.s32 $0x2;
	s3 =	sor.u32 s7, s3  }
0x6: {  	s13 =	simm.s32 $0x0;
	[smem:$0x7FF] =	sst s2;
	s8 =	smul.u32 $0x4E, s3  }
0x7: {  	_ =	strace $0x80000047;
	s7 =	ssub.s32 $0x2, s7;
	s9 =	smin.u32 s3, $0x4  }
0x8: {  	s3 =	sadd.s32 $0xE00, s4;
	s30 =	sshrl.u32 s7, $0x1;
	s8 =	sadd.s32 s9, s8  }
0x9: {  	s4 =	sadd.s32 $0x1400, s4;
	s7 =	ssub.s32 s7, s30;
	s8 =	smin.u32 s8, $0x975  }
0xa: {  	s7 =	smax.u32 s7, $0x1;
	s31 =	sshll.u32 s8, $0x5;
	s8 =	sshll.u32 s8, $0x4  }
0xb: {  	s5 =	sadd.s32 s5, s31;
	s6 =	sadd.s32 s6, s8;
	s8 =	simm.s32 $0x2780  }
.LBB2_1:
0xc: {  	[tilespmem:s2], [sflag:$0x1] =	stream.linear.gather [hbm4b:s3+s2], $0x2780, $0x38;
	[tilespmem:$0xC580] =	vst v63  }
0xd: {  	_ = 	snop  }
0xe: {  	[tilespmem:s8], [sflag:$0x1] =	stream.linear.gather [hbm4b:s4+s2], $0x2780, $0x38;
	[tilespmem:$0xC580] =	vst v63  }
0xf: {  	s0 =	simm.s32 $0x4F00  }
0x10: {  	[tilespmem:s0], [sflag:$0x1] =	stream.linear.gather [hbm4b:s5+s2], $0x4F00, $0x38;
	[tilespmem:$0xC580] =	vst v63  }
0x11: {  	_ =	swait.ge [sflag:s10], $0x2780  }
0x12: {  	[sflag:s10] =	ssyncset.done $0x0  }
0x13: {  	[sflag:s10] =	ssyncadd.s32 $0xFFFFD880  }
0x14: {  	_ =	swait.ge [sflag:s10], $0x2780  }
0x15: {  	[sflag:s10] =	ssyncset.done $0x0  }
0x16: {  	s28 =	simm.s32 $0x0;
	[sflag:s10] =	ssyncadd.s32 $0xFFFFD880  }
0x17: {  	s15 =	sand.u32 $0x7F00, s2;
	s14 =	sand.u32 $0x40, s28;
	_ =	swait.ge [sflag:s10], $0x4F00  }
0x18: {  	s15 =	sadd.s32 $0x4F00, s15;
	s25 =	sor.u32 $0x30, s14;
	[sflag:s10] =	ssyncset.done $0x0  }
0x19: {  	s16 =	sor.u32 s25, s15;
	[sflag:s10] =	ssyncadd.s32 $0xFFFFB100  }
0x1a: {  	s24 =	sor.u32 $0x10, s14;
	v0 =	vld [tilespmem:s16+$0x0]  }
0x1b: {  	s17 =	sor.u32 s24, s15;
	v1 =	vld [tilespmem:s16+$0x80]  }
0x1c: {  	s23 =	sor.u32 $0x20, s14;
	v2 =	vld [tilespmem:s17+$0x0]  }
0x1d: {  	s18 =	sor.u32 s23, s15;
	v3 =	vld [tilespmem:s17+$0x80]  }
0x1e: {  	v4 =	vld [tilespmem:s18+$0x0]  }
0x1f: {  	s14 =	sor.u32 s14, s15;
	v5 =	vld [tilespmem:s18+$0x80]  }
0x20: {  	s29 =	simm.s32 $0x40;
	s19 =	simm.s32 $0x80;
	v6 =	vld [tilespmem:s14+$0x0]  }
0x21: {  	s20 =	sand.u32 $0x40, s29;
	v7 =	vld [tilespmem:s14+$0x80];
	s14 =	sand.u32 $0x7F00, s19  }
0x22: {  	s26 =	sor.u32 $0x30, s20;
	s14 =	sadd.s32 $0x4F00, s14;
	v0 =	vld.idx.msk [tilespmem:v0+s2+$0x0], $0xffff  }
0x23: {  	s21 =	sor.u32 s26, s14;
	v1 =	vld.idx.msk [tilespmem:v1+s8+$0x0], $0xffff  }
0x24: {  	v8 =	vld [tilespmem:s21+$0x0]  }
0x25: {  	v2 =	vld.idx.msk [tilespmem:v2+s2+$0x0], $0xffff  }
0x26: {  	v3 =	vld.idx.msk [tilespmem:v3+s8+$0x0], $0xffff  }
0x27: {  	v4 =	vld.idx.msk [tilespmem:v4+s2+$0x0], $0xffff  }
0x28: {  	v5 =	vld.idx.msk [tilespmem:v5+s8+$0x0], $0xffff;
	v0 =	vadd.f32 v1, v0  }
0x29: {  	v6 =	vld.idx.msk [tilespmem:v6+s2+$0x0], $0xffff  }
0x2a: {  	s30 =	sor.u32 $0x10, s20;
	v7 =	vld.idx.msk [tilespmem:v7+s8+$0x0], $0xffff;
	v0 =	vmul.f32 $1.442695020e+00, v0  }
0x2b: {  	s22 =	sor.u32 s30, s14;
	v9 =	vld [tilespmem:s21+$0x80];
	v2 =	vadd.f32 v3, v2  }
0x2c: {  	s31 =	sor.u32 $0x20, s20;
	v1 =	vld [tilespmem:s22+$0x0];
	(erf) = vpow2.f32 v0  }
0x2d: {  	s0 =	sor.u32 s31, s14;
	v3 =	vld [tilespmem:s22+$0x80];
	v4 =	vadd.f32 v5, v4;
	v2 =	vmul.f32 $1.442695020e+00, v2  }
0x2e: {  	v10 =	vld [tilespmem:s0+$0x0]  }
0x2f: {  	v5 =	vld [tilespmem:s0+$0x80];
	v6 =	vadd.f32 v7, v6;
	v4 =	vmul.f32 $1.442695020e+00, v4;
	(erf) = vpow2.f32 v2  }
0x30: {  	s14 =	sor.u32 s20, s14;
	v8 =	vld.idx.msk [tilespmem:v8+s2+$0x0], $0xffff  }
0x31: {  	v6 =	vmul.f32 $1.442695020e+00, v6;
	v0 =	vld [tilespmem:s14+$0x0];
	(erf) = vpow2.f32 v4  }
0x32: {  	v2 =	vld [tilespmem:s14+$0x80]  }
0x33: {  	v4 =	vld.idx.msk [tilespmem:v9+s8+$0x0], $0xffff  }
0x34: {  	s1 =	simm.s32 $0x100;
	s14 =	simm.s32 $0x80;
	v1 =	vld.idx.msk [tilespmem:v1+s2+$0x0], $0xffff  }
0x35: {  	s15 =	sand.u32 $0x7F00, s1;
	s18 =	sand.u32 $0x40, s14;
	(erf) = vpow2.f32 v6;
	v3 =	vld.idx.msk [tilespmem:v3+s8+$0x0], $0xffff;
	v6 =	vpop (erf)  }
0x36: {  	s19 =	sadd.s32 $0x4F00, s15;
	v7 =	vld.idx.msk [tilespmem:v10+s2+$0x0], $0xffff;
	s15 =	sor.u32 $0x30, s18;
	v6 =	vadd.f32 $1.000000000e+00, v6  }
0x37: {  	v5 =	vld.idx.msk [tilespmem:v5+s8+$0x0], $0xffff;
	s9 =	sor.u32 s15, s19  }
0x38: {  	v10 =	vld [tilespmem:s9+$0x80];
	v4 =	vadd.f32 v4, v8;
	v9 =	vpop (erf)  }
0x39: {  	v0 =	vld.idx.msk [tilespmem:v0+s2+$0x0], $0xffff;
	v9 =	vadd.f32 $1.000000000e+00, v9  }
0x3a: {  	s16 =	sor.u32 $0x10, s18;
	v2 =	vld.idx.msk [tilespmem:v2+s8+$0x0], $0xffff;
	v1 =	vadd.f32 v3, v1;
	v3 =	vmul.f32 $1.442695020e+00, v4;
	(erf) = vrcp.f32 v6;
	v6 =	vpop (erf)  }
0x3b: {  	s20 =	sor.u32 s16, s19;
	v8 =	vld [tilespmem:s9+$0x0];
	(erf) = vrcp.f32 v9;
	v6 =	vadd.f32 $1.000000000e+00, v6  }
0x3c: {  	v1 =	vmul.f32 $1.442695020e+00, v1;
	v9 =	vld [tilespmem:s20+$0x80];
	(erf) = vpow2.f32 v3  }
0x3d: {  	s17 =	sor.u32 $0x20, s18;
	s18 =	sor.u32 s18, s19;
	v4 =	vld [tilespmem:s20+$0x0];
	(erf) = vrcp.f32 v6  }
0x3e: {  	v5 =	vadd.f32 v5, v7;
	v7 =	vld [tilespmem:s18+$0x80];
	(erf) = vpow2.f32 v1  }
0x3f: {  	s21 =	sor.u32 s17, s19;
	v0 =	vadd.f32 v2, v0;
	v11 =	vpop (erf);
	v1 =	vld [tilespmem:s18+$0x0]  }
0x40: {  	v3 =	vld [tilespmem:s21+$0x0];
	v11 =	vadd.f32 $1.000000000e+00, v11  }
0x41: {  	v2 =	vmul.f32 $1.442695020e+00, v5;
	v0 =	vmul.f32 $1.442695020e+00, v0;
	v6 =	vld [tilespmem:s21+$0x80]  }
0x42: {  	v5 =	vld.idx.msk [tilespmem:v10+s8+$0x0], $0xffff;
	(erf) = vrcp.f32 v11  }
0x43: {  	v8 =	vld.idx.msk [tilespmem:v8+s2+$0x0], $0xffff;
	(erf) = vpow2.f32 v2;
	v10 =	vpop (erf)  }
0x44: {  	v2 =	vld.idx.msk [tilespmem:v9+s8+$0x0], $0xffff;
	v9 =	vpop (erf)  }
0x45: {  	v4 =	vld.idx.msk [tilespmem:v4+s2+$0x0], $0xffff;
	(erf) = vpow2.f32 v0;
	v0 =	vpop (erf)  }
0x46: {  	s22 =	simm.s32 $0x180;
	s21 =	simm.s32 $0xC0;
	v7 =	vld.idx.msk [tilespmem:v7+s8+$0x0], $0xffff;
	v11 =	vpop (erf)  }
0x47: {  	s20 =	sand.u32 $0x7F00, s22;
	s1 =	sand.u32 $0x40, s21;
	v12 =	vld.idx.msk [tilespmem:v1+s2+$0x0], $0xffff;
	v1 =	vpop (erf)  }
0x48: {  	s0 =	sadd.s32 $0x4F00, s20;
	s18 =	sor.u32 $0x30, s1;
	v3 =	vld.idx.msk [tilespmem:v3+s2+$0x0], $0xffff;
	v0 =	vadd.f32 $1.000000000e+00, v0;
	v1 =	vadd.f32 $1.000000000e+00, v1  }
0x49: {  	s20 =	sor.u32 s18, s0;
	v6 =	vld.idx.msk [tilespmem:v6+s8+$0x0], $0xffff  }
0x4a: {  	s19 =	sor.u32 $0x10, s1;
	v13 =	vld [tilespmem:s20+$0x0];
	(erf) = vrcp.f32 v0;
	v0 =	vadd.f32 v5, v8  }
0x4b: {  	s9 =	sor.u32 s19, s0;
	v14 =	vld [tilespmem:s20+$0x80];
	v8 =	vpop (erf)  }
0x4c: {  	s28 =	sand.u32 $0x3F80, s28;
	s20 =	sor.u32 $0x20, s1;
	v5 =	vld [tilespmem:s9+$0x0];
	v4 =	vadd.f32 v2, v4;
	v16 =	vmul.f32 $1.442695020e+00, v0;
	(erf) = vrcp.f32 v1;
	v1 =	vpop (erf)  }
0x4d: {  	v15 =	vld [tilespmem:s9+$0x80];
	s9 =	sor.u32 s20, s0;
	s0 =	sor.u32 s1, s0;
	s1 =	sadd.s32 $0x9E00, s28;
	v17 =	vadd.f32 $1.000000000e+00, v1  }
0x4e: {  	s25 =	sor.u32 s25, s1;
	v4 =	vmul.f32 $1.442695020e+00, v4;
	v6 =	vadd.f32 v6, v3;
	(erf) = vpow2.f32 v16;
	v3 =	vpop (erf)  }
0x4f: {  	v2 =	vld [tilespmem:s9+$0x0];
	[tilespmem:s25+$0x0] =	vst v10;
	s25 =	sor.u32 s24, s1;
	v10 =	vadd.f32 $1.000000000e+00, v3;
	(erf) = vrcp.f32 v17  }
0x50: {  	v0 =	vld [tilespmem:s9+$0x80];
	[tilespmem:s25+$0x0] =	vst v9;
	v7 =	vadd.f32 v7, v12;
	v9 =	vmul.f32 $1.442695020e+00, v6;
	(erf) = vpow2.f32 v4  }
0x51: {  	v1 =	vld [tilespmem:s0+$0x0];
	(erf) = vrcp.f32 v10  }
0x52: {  	v7 =	vmul.f32 $1.442695020e+00, v7;
	v3 =	vld [tilespmem:s0+$0x80];
	(erf) = vpow2.f32 v9  }
0x53: {  	s25 =	sand.u32 $0x3F80, s29;
	v6 =	vld.idx.msk [tilespmem:v14+s8+$0x0], $0xffff  }
0x54: {  	s24 =	sor.u32 s23, s1;
	[tilespmem:s11+$0x0] =	vst v8;
	s29 =	sadd.s32 $0x9E00, s25;
	v5 =	vld.idx.msk [tilespmem:v5+s2+$0x0], $0xffff;
	v8 =	vpop (erf);
	(erf) = vpow2.f32 v7  }
0x55: {  	s23 =	simm.s32 $0xC0;
	[tilespmem:s24+$0x0] =	vst v11;
	s1 =	sor.u32 s26, s29;
	v4 =	vld.idx.msk [tilespmem:v13+s2+$0x0], $0xffff  }
0x56: {  	s24 =	simm.s32 $0x9E00;
	s28 =	sor.u32 s30, s29;
	s25 =	sor.u32 s31, s29;
	[tilespmem:s1+$0x0] =	vst v8;
	v7 =	vld.idx.msk [tilespmem:v15+s8+$0x0], $0xffff;
	v8 =	vpop (erf)  }
.LBB2_2:
0x57: {  	s21 =	sadd.s32 $0x40, s21;
	v2 =	vld.idx.msk [tilespmem:v2+s2+$0x0], $0xffff;
	s22 =	sadd.s32 $0x80, s22;
	v9 =	vpop (erf);
	[tilespmem:s28+$0x0] =	vst v8;
	s24 =	sadd.s32 $0x40, s24  }
0x58: {  	s0 =	sand.u32 $0x40, s21;
	s1 =	sand.u32 $0x7F00, s22;
	p0 =	slt.u32 s21, $0x2740;
	v0 =	vld.idx.msk [tilespmem:v0+s8+$0x0], $0xffff;
	v11 =	vadd.f32 $1.000000000e+00, v9;
	v9 =	vpop (erf)  }
0x59: {  	s1 =	sadd.s32 $0x4F00, s1;
	s29 =	sor.u32 $0x10, s0;
	s26 =	sor.u32 $0x30, s0;
	v1 =	vld.idx.msk [tilespmem:v1+s2+$0x0], $0xffff;
	v10 =	vpop (erf);
	[tilespmem:s25+$0x0] =	vst v9  }
0x5a: {  	s30 =	sor.u32 $0x20, s0;
	v4 =	vadd.f32 v6, v4;
	s9 =	sor.u32 s29, s1;
	s25 =	sor.u32 s26, s1;
	v3 =	vld.idx.msk [tilespmem:v3+s8+$0x0], $0xffff;
	v6 =	vadd.f32 $1.000000000e+00, v10;
	(erf) = vrcp.f32 v11;
	v8 =	vpop (erf)  }
0x5b: {  	s0 =	sor.u32 s0, s1;
	s1 =	sor.u32 s30, s1;
	v9 =	vld [tilespmem:s25+$0x0];
	v10 =	vpop (erf);
	[tilespmem:s24+$0x0] =	vst v8  }
0x5c: {  	v5 =	vadd.f32 v7, v5;
	v4 =	vmul.f32 $1.442695020e+00, v4;
	v8 =	vld [tilespmem:s25+$0x80];
	v7 =	vadd.f32 $1.000000000e+00, v10  }
0x5d: {  	v10 =	vld [tilespmem:s9+$0x0];
	v11 =	vpop (erf);
	(erf) = vrcp.f32 v6  }
0x5e: {  	v5 =	vmul.f32 $1.442695020e+00, v5;
	v6 =	vadd.f32 v0, v2;
	v12 =	vld [tilespmem:s9+$0x80];
	(erf) = vpow2.f32 v4  }
0x5f: {  	v4 =	vadd.f32 $1.000000000e+00, v11;
	v2 =	vld [tilespmem:s1+$0x0];
	(erf) = vrcp.f32 v7  }
0x60: {  	v11 =	vadd.f32 v3, v1;
	v6 =	vmul.f32 $1.442695020e+00, v6;
	v0 =	vld [tilespmem:s1+$0x80];
	(erf) = vpow2.f32 v5  }
0x61: {  	s1 =	sand.u32 $0x3F80, s14;
	s14 =	smov.u32 s23;
	s23 =	smov.u32 s21;
	v1 =	vld [tilespmem:s0+$0x0];
	(erf) = vrcp.f32 v4  }
.Ltmp0:
0x62: {  	v5 =	vmul.f32 $1.442695020e+00, v11;
	v3 =	vld [tilespmem:s0+$0x80];
	(erf) = vpow2.f32 v6;
	s0 =	sadd.s32 $0x9E00, s1;
	(pc) =	sbr.rel @p0 .LBB2_2-.Ltmp0, $4  }
0x63: {  	v4 =	vld.idx.msk [tilespmem:v9+s2+$0x0], $0xffff;
	s28 =	sor.u32 s16, s0;
	s25 =	sor.u32 s17, s0;
	s0 =	sor.u32 s15, s0;
	v7 =	vpop (erf)  }
0x64: {  	s16 =	smov.u32 s19;
	s19 =	smov.u32 s29;
	s15 =	smov.u32 s18;
	v6 =	vld.idx.msk [tilespmem:v8+s8+$0x0], $0xffff;
	(erf) = vpow2.f32 v5;
	[tilespmem:s0+$0x0] =	vst v7  }
0x65: {  	s18 =	smov.u32 s26;
	s17 =	smov.u32 s20;
	s20 =	smov.u32 s30;
	v5 =	vld.idx.msk [tilespmem:v10+s2+$0x0], $0xffff  }
0x66: {  	v7 =	vld.idx.msk [tilespmem:v12+s8+$0x0], $0xffff;
	v8 =	vpop (erf)  }
0x67: {  	_ =	sdelay $0x3  }
0x68: {  	v2 =	vld.idx.msk [tilespmem:v2+s2+$0x0], $0xffff  }
0x69: {  	v9 =	vpop (erf);
	v0 =	vld.idx.msk [tilespmem:v0+s8+$0x0], $0xffff  }
0x6a: {  	v1 =	vld.idx.msk [tilespmem:v1+s2+$0x0], $0xffff;
	v10 =	vpop (erf)  }
0x6b: {  	v3 =	vld.idx.msk [tilespmem:v3+s8+$0x0], $0xffff;
	v9 =	vadd.f32 $1.000000000e+00, v9;
	v11 =	vpop (erf);
	v4 =	vadd.f32 v6, v4  }
0x6c: {  	v45 =	vadd.f32 $1.000000000e+00, v11;
	v46 =	vpop (erf)  }
0x6d: {  	(erf) = vrcp.f32 v9;
	v5 =	vadd.f32 v7, v5;
	v47 =	vpop (erf);
	v4 =	vmul.f32 $1.442695020e+00, v4  }
0x6e: {  	v7 =	vadd.f32 $1.000000000e+00, v47;
	(erf) = vrcp.f32 v45  }
0x6f: {  	v0 =	vadd.f32 v0, v2;
	v48 =	vpop (erf);
	v5 =	vmul.f32 $1.442695020e+00, v5;
	(erf) = vpow2.f32 v4  }
0x70: {  	v1 =	vadd.f32 v3, v1;
	v49 =	vadd.f32 $1.000000000e+00, v48;
	(erf) = vrcp.f32 v7  }
0x71: {  	v0 =	vmul.f32 $1.442695020e+00, v0;
	(erf) = vpow2.f32 v5  }
0x72: {  	v1 =	vmul.f32 $1.442695020e+00, v1;
	(erf) = vrcp.f32 v49  }
0x73: {  	(erf) = vpow2.f32 v0  }
0x74: {  	(erf) = vpow2.f32 v1;
	_ =	sdelay $0x1  }
0x75: {  	v50 =	vpop (erf)  }
0x76: {  	v51 =	vpop (erf)  }
0x77: {  	v52 =	vpop (erf)  }
0x78: {  	v53 =	vpop (erf)  }
0x79: {  	v54 =	vpop (erf)  }
0x7a: {  	v2 =	vadd.f32 $1.000000000e+00, v52;
	v55 =	vpop (erf)  }
0x7b: {  	v4 =	vadd.f32 $1.000000000e+00, v54;
	v56 =	vpop (erf)  }
0x7c: {  	(erf) = vrcp.f32 v2;
	v57 =	vadd.f32 $1.000000000e+00, v56;
	v58 =	vpop (erf)  }
0x7d: {  	(erf) = vrcp.f32 v4;
	v59 =	vadd.f32 $1.000000000e+00, v58  }
0x7e: {  	(erf) = vrcp.f32 v57  }
0x7f: {  	[tilespmem:s28+$0x0] =	vst v8;
	s0 =	sand.u32 $0x3F80, s14;
	(erf) = vrcp.f32 v59  }
0x80: {  	s1 =	sadd.s32 $0x40, s24;
	s0 =	sadd.s32 $0x9E00, s0;
	[tilespmem:s25+$0x0] =	vst v10  }
0x81: {  	s9 =	sor.u32 s15, s0;
	[tilespmem:s1+$0x0] =	vst v46  }
0x82: {  	s28 =	sor.u32 s16, s0;
	[tilespmem:s9+$0x0] =	vst v50  }
0x83: {  	s29 =	sand.u32 $0x3F80, s23;
	s0 =	sor.u32 s17, s0;
	[tilespmem:s28+$0x0] =	vst v51  }
0x84: {  	s30 =	sadd.s32 $0x9E00, s29;
	s1 =	sadd.s32 $0x40, s1;
	[tilespmem:s0+$0x0] =	vst v53  }
0x85: {  	s9 =	sor.u32 s18, s30;
	[tilespmem:s1+$0x0] =	vst v55;
	v60 =	vpop (erf)  }
0x86: {  	s31 =	sor.u32 s19, s30;
	[tilespmem:s9+$0x0] =	vst v60;
	v61 =	vpop (erf)  }
0x87: {  	s13 =	sadd.s32 $0x1, s13;
	s0 =	sor.u32 s20, s30;
	[tilespmem:s31+$0x0] =	vst v61;
	v62 =	vpop (erf)  }
0x88: {  	p0 =	sne.s32 s13, s7;
	s1 =	sadd.s32 $0x40, s1;
	[tilespmem:s0+$0x0] =	vst v62;
	v63 =	vpop (erf)  }
.Ltmp1:
0x89: {  	[tilespmem:s1+$0x0] =	vst v63;
	(pc) =	sbr.rel @p0 .LBB2_1-.Ltmp1, $4  }
0x8a: {  	[hbm4b:s6+s2] =	stream.linear.scatter [tilespmem:s11], [sflag:$0x2], $0x2780, $0x38;
	[tilespmem:$0xC580] =	vst v63  }
0x8b: {  	_ =	swait.ge [sflag:s12], $0x2780  }
0x8c: {  	[sflag:s12] =	ssyncset.done $0x0  }
0x8d: {  	[sflag:s12] =	ssyncadd.s32 $0xFFFFD880  }
0x8e: {  	_ =	sfence.sel $0x180000  }
0x8f: {  	[bflag:$0x0] =	sbarrier.arrive $0xFFFF  }
0x90: {  	_ =	strace $0x90000047  }
0x91: {  	s0 =	stileid.u32;
	[bflag:$0x2] =	sbarrier.arrive $0xFFFF  }
0x92: {  	p0 =	sne.s32 s0, $0x0;
	s0 =	rddreg [dreg:$0x3]  }
0x93: {  	s0 =	sadd.s32 @!p0 $0x100000, s0  }
0x94: {  	[sflag:s0] =	ssyncadd.tile.s32 @!p0 $0x1;
	_ =	shalt  }
.Lfunc_end2:
_tile_overlayer_lowered:
.L_overlay_start_2:
0x95: {  	(tag) =	ssettag $0x2  }
0x96: {  	s0 =	rddreg [dreg:$0x0];
	s2 =	stileid.u32  }
0x97: {  	s1 =	rddreg [dreg:$0x1];
	p0 =	sne.s32 s2, $0x0  }
0x98: {  	s3 =	rddreg [dreg:$0x2];
	[bflag:$0x3] =	sbarrier.arrive $0xFFFF;
	s2 =	simm.s32 @!p0 $0x1C02  }
0x99: {  	[timem:s3], [sflag:s2] =	dma.local @!p0 [hbm:s0], s1  }
0x9a: {  	s0 =	simm.s32 @!p0 $0x2  }
0x9b: {  	_ =	swait.ge @!p0 [sflag:s0], s1  }
0x9c: {  	s1 =	ssub.s32 @!p0 $0x0, s1;
	[sflag:s0] =	ssyncset.done @!p0 $0x0  }
0x9d: {  	[sflag:s0] =	ssyncadd.s32 @!p0 s1  }
0x9e: {  	[bflag:$0x3] =	sbarrier.arrive $0xFFFF  }
0x9f: {  	_ =	shalt  }

</sc_bundles>
